<compile_context>
chip_gen: v7x
topology: tpu7x:2x2x1
jax: 0.10.2.dev20260603
libtpu: 0.0.44.dev20260713+nightly
codegen_flags: <defaults>
</compile_context>

<pallas_src>
import functools

import jax
import jax.numpy as jnp
from jax import lax
from jax.experimental import pallas as pl
from jax.experimental.pallas import tpu as pltpu
from jax.experimental.pallas import tpu_sc as plsc

N_TOKENS = 16384
D_MODEL = 2048
NUM_EXPERTS = 16
TOP_K = 2
BLOCK_T = 2048
N_SUB = 8
SUB_T = BLOCK_T // N_SUB

_SC_INFO = plsc.get_sparse_core_info()
N_WORKERS = _SC_INFO.num_cores * _SC_INFO.num_subcores
TOK_PER_WORKER = N_TOKENS // N_WORKERS


def _logits_kernel(*refs):
    x_refs = refs[:N_SUB]
    w_ref, b_ref, out_ref = refs[N_SUB:]
    w = w_ref[...]
    b = b_ref[...]
    for j in range(N_SUB):
        x = x_refs[j][...]
        out_ref[pl.ds(j * SUB_T, SUB_T), :] = jax.lax.dot_general(
            x, w, (((1,), (1,)), ((), ())), preferred_element_type=jnp.float32
        ) + b


def _x_spec(j):
    return pl.BlockSpec((SUB_T, D_MODEL), lambda i, j=j: (i * N_SUB + j, 0))


def _tc_logits(x, W, b):
    grid = (N_TOKENS // BLOCK_T,)
    return pl.pallas_call(
        _logits_kernel,
        grid=grid,
        in_specs=[_x_spec(j) for j in range(N_SUB)] + [
            pl.BlockSpec((NUM_EXPERTS, D_MODEL), lambda i: (0, 0)),
            pl.BlockSpec((1, NUM_EXPERTS), lambda i: (0, 0)),
        ],
        out_specs=pl.BlockSpec((BLOCK_T, NUM_EXPERTS), lambda i: (i, 0)),
        out_shape=jax.ShapeDtypeStruct((N_TOKENS, NUM_EXPERTS), jnp.float32),
        compiler_params=pltpu.CompilerParams(
            dimension_semantics=("parallel",),
        ),
    )(*([x] * N_SUB), W, b.reshape(1, NUM_EXPERTS))


@functools.partial(
    pl.kernel,
    out_type=[
        jax.ShapeDtypeStruct((N_TOKENS, NUM_EXPERTS), jnp.float32),
        jax.ShapeDtypeStruct((N_TOKENS, TOP_K), jnp.int32),
        jax.ShapeDtypeStruct((N_TOKENS, NUM_EXPERTS), jnp.float32),
    ],
    mesh=plsc.VectorSubcoreMesh(core_axis_name="c", subcore_axis_name="s"),
    compiler_params=pltpu.CompilerParams(needs_layout_passes=False),
    scratch_types=[
        pltpu.VMEM((128, NUM_EXPERTS), jnp.float32),
        pltpu.VMEM((128, NUM_EXPERTS), jnp.float32),
        pltpu.VMEM((128, NUM_EXPERTS), jnp.float32),
        pltpu.VMEM((128, TOP_K), jnp.int32),
    ],
)
def _sc_router(logits_hbm, rw_hbm, idx_hbm, probs_hbm,
               logits_v, rw_v, probs_v, idx_v):
    wid = lax.axis_index("s") * _SC_INFO.num_cores + lax.axis_index("c")
    base = wid * TOK_PER_WORKER
    chunk = 128

    lane = lax.iota(jnp.int32, NUM_EXPERTS)
    neg = jnp.float32(-jnp.inf)
    big = jnp.int32(NUM_EXPERTS)
    scatter_mask = lane < TOP_K

    def body(t, _):
        l = logits_v[t]
        m = jnp.max(l)
        i0 = jnp.min(jnp.where(l == m, lane, big))
        l1 = jnp.where(lane == i0, neg, l)
        v1 = jnp.max(l1)
        i1 = jnp.min(jnp.where(l1 == v1, lane, big))
        e = jnp.exp(l - m)
        s = jnp.sum(e)
        probs_v[t] = e / s
        z = jnp.exp(jnp.broadcast_to(v1 - m, (NUM_EXPERTS,)))
        p0 = 1.0 / (1.0 + z)
        p1 = z * p0
        rw_v[t] = jnp.where(lane == i0, p0, 0.0) + jnp.where(lane == i1, p1, 0.0)
        pair = jnp.where(lane == 0, i0, i1)
        plsc.store_scatter(idx_v, [jnp.full((NUM_EXPERTS,), t, jnp.int32), lane],
                           pair, mask=scatter_mask)
        return _

    def chunk_body(c, _):
        off = base + c * chunk
        pltpu.sync_copy(logits_hbm.at[pl.ds(off, chunk)], logits_v)
        lax.fori_loop(0, chunk, body, None)
        pltpu.sync_copy(rw_v, rw_hbm.at[pl.ds(off, chunk)])
        pltpu.sync_copy(probs_v, probs_hbm.at[pl.ds(off, chunk)])
        pltpu.sync_copy(idx_v, idx_hbm.at[pl.ds(off, chunk)])
        return _

    lax.fori_loop(0, TOK_PER_WORKER // chunk, chunk_body, None)


@functools.partial(jax.jit, static_argnames=())
def kernel(x, W, b):
    logits = _tc_logits(x, W, b)
    rw, idx, probs = _sc_router(logits)
    return rw, idx, probs

# --- scband reference (transcript-rebuilt; emitter-appended) ---
"""Pipeline reference for scband-dynamic-mo-erouter-17248588661239 (READ-ONLY COPY).

The authoritative reference and input builder live on the scoring server;
editing this copy changes nothing except your own understanding.
"""

import jax, jax.numpy as jnp
import numpy as np

N_TOKENS = 16384
D_MODEL = 2048
NUM_EXPERTS = 16
TOP_K = 2


def setup_inputs(seed: int = 0) -> dict:
    key = jax.random.key(seed)
    kx, kw, kb = jax.random.split(key, 3)
    x = jax.random.normal(kx, (N_TOKENS, D_MODEL), dtype=jnp.float32)
    # nn.Linear(input_size, num_experts): weight [num_experts, input_size], bias [num_experts]
    W = jax.random.normal(kw, (NUM_EXPERTS, D_MODEL), dtype=jnp.float32) * (1.0 / np.sqrt(D_MODEL))
    b = jax.random.normal(kb, (NUM_EXPERTS,), dtype=jnp.float32) * 0.01
    return {"x": x, "W": W, "b": b}


def reference(x, W, b):
    # router_logits = self.router(x)
    router_logits = x @ W.T + b
    # all_probs = softmax(router_logits, dim=-1)
    all_probs = jax.nn.softmax(router_logits, axis=-1)
    # top_k over experts
    top_k_logits, top_k_indices = jax.lax.top_k(router_logits, TOP_K)
    top_k_probs = jax.nn.softmax(top_k_logits, axis=-1)
    # routing_weights = zeros.scatter_(1, top_k_indices, top_k_probs)
    row_idx = jnp.arange(router_logits.shape[0])[:, None]
    routing_weights = jnp.zeros_like(router_logits).at[row_idx, top_k_indices].set(top_k_probs)
    return (routing_weights, top_k_indices, all_probs)

if __name__ == "__main__":
    import jax
    _d = setup_inputs()
    print(jax.jit(kernel)(*tuple(_d.values())))

</pallas_src>

<mosaic_0001>
#map = affine_map<(d0, d1) -> (0, 0)>
module attributes {stable_mosaic.version = 14 : i64} {
  func.func @_sc_router(%arg0: i32, %arg1: i32, %arg2: memref<16384x16xf32, #tpu.memory_space<hbm>>, %arg3: memref<16384x16xf32, #tpu.memory_space<hbm>>, %arg4: memref<16384x2xi32, #tpu.memory_space<hbm>>, %arg5: memref<16384x16xf32, #tpu.memory_space<hbm>>, %arg6: memref<128x16xf32, #tpu.memory_space<vmem>>, %arg7: memref<128x16xf32, #tpu.memory_space<vmem>>, %arg8: memref<128x16xf32, #tpu.memory_space<vmem>>, %arg9: memref<128x2xi32, #tpu.memory_space<vmem>>) attributes {dimension_semantics = [#tpu.dimension_semantics<core_parallel>, #tpu.dimension_semantics<subcore_parallel>], iteration_bounds = array<i64: 2, 16>, scalar_prefetch = 0 : i64, scratch_operands = 4 : i64, tpu.core_type = #tpu.core_type<sc_vector_subcore>, window_params = [{transform_indices = #map}, {transform_indices = #map}, {transform_indices = #map}, {transform_indices = #map}]} {
    %mul3A = arith.constant 2 : i32
    %mul3A_0 = arith.muli %arg1, %mul3A : i32
    %add3A = arith.addi %mul3A_0, %arg0 : i32
    %mul3A_1 = arith.constant 512 : i32
    %mul3A_2 = arith.muli %add3A, %mul3A_1 : i32
    %iota3A = tpu.iota {dimensions = array<i32: 0>} : vector<16xi32>
    %lt3A = arith.constant 2 : i32
    %lt3A_3 = vector.broadcast %lt3A : i32 to vector<16xi32>
    %lt3A_4 = arith.cmpi slt, %iota3A, %lt3A_3 : vector<16xi32>
    %scan3A = arith.constant 16 : i32
    %scan3A_5 = arith.constant 0xFF800000 : f32
    %scan3A_6 = arith.constant 0 : i32
    %scan3A_7 = arith.constant 4 : i32
    %scan3A_8 = arith.addi %scan3A_6, %scan3A_7 : i32
    %scan3A_9 = arith.constant 1 : i32
    scf.for %scan3A_11 = %scan3A_6 to %scan3A_8 step %scan3A_9  : i32 {
      %mul3A_12 = arith.constant 128 : i32
      %mul3A_13 = arith.muli %scan3A_11, %mul3A_12 : i32
      %add3A_14 = arith.addi %mul3A_2, %mul3A_13 : i32
      "tpu.region"() ({
        %run_scoped3A = tpu.sem_alloc : memref<!tpu.dma_semaphore, #tpu.memory_space<semaphore_mem>>
        %dma_start3A = arith.constant 0 : i32
        %dma_start3A_20 = tpu.memref_slice %arg2[%add3A_14, %dma_start3A] : memref<16384x16xf32, #tpu.memory_space<hbm>> -> memref<128x16xf32, #tpu.memory_space<hbm>>
        %dma_start3A_21 = arith.constant 0 : i32
        %dma_start3A_22 = tpu.memref_slice %arg2[%add3A_14, %dma_start3A_21] : memref<16384x16xf32, #tpu.memory_space<hbm>> -> memref<128x16xf32, #tpu.memory_space<hbm>>
        tpu.enqueue_dma source(%dma_start3A_22 : memref<128x16xf32, #tpu.memory_space<hbm>>) target(%arg6 : memref<128x16xf32, #tpu.memory_space<vmem>>) target_semaphore(%run_scoped3A : memref<!tpu.dma_semaphore, #tpu.memory_space<semaphore_mem>>)
        %dma_wait3A = arith.constant 0 : i32
        %dma_wait3A_23 = tpu.memref_slice %arg2[%add3A_14, %dma_wait3A] : memref<16384x16xf32, #tpu.memory_space<hbm>> -> memref<128x16xf32, #tpu.memory_space<hbm>>
        %dma_wait3A_24 = arith.constant 0 : i32
        %dma_wait3A_25 = tpu.memref_slice %arg2[%add3A_14, %dma_wait3A_24] : memref<16384x16xf32, #tpu.memory_space<hbm>> -> memref<128x16xf32, #tpu.memory_space<hbm>>
        tpu.wait_dma2 semaphore(%run_scoped3A : memref<!tpu.dma_semaphore, #tpu.memory_space<semaphore_mem>>) src(%dma_wait3A_25 : memref<128x16xf32, #tpu.memory_space<hbm>>) dst(%arg6 : memref<128x16xf32, #tpu.memory_space<vmem>>)
        tpu.yield
      }) : () -> ()
      %scan3A_15 = arith.constant 0 : i32
      %scan3A_16 = arith.constant 128 : i32
      %scan3A_17 = arith.addi %scan3A_15, %scan3A_16 : i32
      %scan3A_18 = arith.constant 1 : i32
      scf.for %scan3A_20 = %scan3A_15 to %scan3A_17 step %scan3A_18  : i32 {
        %get3A = arith.index_cast %scan3A_20 : i32 to index
        %get3A_21 = arith.constant 0 : index
        %get3A_22 = tpu.vector_load %arg6[%get3A, %get3A_21] {strides = array<i32>} : memref<128x16xf32, #tpu.memory_space<vmem>>, vector<16xf32>,
        %reduce_max3A = arith.constant true
        %reduce_max3A_23 = vector.broadcast %reduce_max3A : i1 to vector<16xi1>
        %reduce_max3A_24 = tpu.scan <max>, %get3A_22 masked %reduce_max3A_23 : vector<16xf32>, vector<16xi1> -> vector<16xf32>
        %reduce_max3A_25 = vector.extract %reduce_max3A_24[15] : f32 from vector<16xf32>
        %eq3A = vector.broadcast %reduce_max3A_25 : f32 to vector<16xf32>
        %eq3A_26 = arith.cmpf oeq, %get3A_22, %eq3A : vector<16xf32>
        %broadcast_in_dim3A = vector.broadcast %scan3A : i32 to vector<16xi32>
        %select_n3A = arith.select %eq3A_26, %iota3A, %broadcast_in_dim3A : vector<16xi1>, vector<16xi32>
        %reduce_min3A = arith.constant true
        %reduce_min3A_27 = vector.broadcast %reduce_min3A : i1 to vector<16xi1>
        %reduce_min3A_28 = arith.constant -2147483648 : i32
        %reduce_min3A_29 = vector.broadcast %reduce_min3A_28 : i32 to vector<16xi32>
        %reduce_min3A_30 = arith.xori %select_n3A, %reduce_min3A_29 : vector<16xi32>
        %reduce_min3A_31 = tpu.scan <min>, %reduce_min3A_30 masked %reduce_min3A_27 : vector<16xi32>, vector<16xi1> -> vector<16xi32>
        %reduce_min3A_32 = arith.xori %reduce_min3A_31, %reduce_min3A_29 : vector<16xi32>
        %reduce_min3A_33 = vector.extract %reduce_min3A_32[15] : i32 from vector<16xi32>
        %eq3A_34 = vector.broadcast %reduce_min3A_33 : i32 to vector<16xi32>
        %eq3A_35 = arith.cmpi eq, %iota3A, %eq3A_34 : vector<16xi32>
        %broadcast_in_dim3A_36 = vector.broadcast %scan3A_5 : f32 to vector<16xf32>
        %select_n3A_37 = arith.select %eq3A_35, %broadcast_in_dim3A_36, %get3A_22 : vector<16xi1>, vector<16xf32>
        %reduce_max3A_38 = arith.constant true
        %reduce_max3A_39 = vector.broadcast %reduce_max3A_38 : i1 to vector<16xi1>
        %reduce_max3A_40 = tpu.scan <max>, %select_n3A_37 masked %reduce_max3A_39 : vector<16xf32>, vector<16xi1> -> vector<16xf32>
        %reduce_max3A_41 = vector.extract %reduce_max3A_40[15] : f32 from vector<16xf32>
        %eq3A_42 = vector.broadcast %reduce_max3A_41 : f32 to vector<16xf32>
        %eq3A_43 = arith.cmpf oeq, %select_n3A_37, %eq3A_42 : vector<16xf32>
        %broadcast_in_dim3A_44 = vector.broadcast %scan3A : i32 to vector<16xi32>
        %select_n3A_45 = arith.select %eq3A_43, %iota3A, %broadcast_in_dim3A_44 : vector<16xi1>, vector<16xi32>
        %reduce_min3A_46 = arith.constant true
        %reduce_min3A_47 = vector.broadcast %reduce_min3A_46 : i1 to vector<16xi1>
        %reduce_min3A_48 = arith.constant -2147483648 : i32
        %reduce_min3A_49 = vector.broadcast %reduce_min3A_48 : i32 to vector<16xi32>
        %reduce_min3A_50 = arith.xori %select_n3A_45, %reduce_min3A_49 : vector<16xi32>
        %reduce_min3A_51 = tpu.scan <min>, %reduce_min3A_50 masked %reduce_min3A_47 : vector<16xi32>, vector<16xi1> -> vector<16xi32>
        %reduce_min3A_52 = arith.xori %reduce_min3A_51, %reduce_min3A_49 : vector<16xi32>
        %reduce_min3A_53 = vector.extract %reduce_min3A_52[15] : i32 from vector<16xi32>
        %sub3A = vector.broadcast %reduce_max3A_25 : f32 to vector<16xf32>
        %sub3A_54 = arith.subf %get3A_22, %sub3A : vector<16xf32>
        %exp3A = math.exp %sub3A_54 : vector<16xf32>
        %reduce_sum3A = arith.constant true
        %reduce_sum3A_55 = vector.broadcast %reduce_sum3A : i1 to vector<16xi1>
        %reduce_sum3A_56 = tpu.scan <sum>, %exp3A masked %reduce_sum3A_55 : vector<16xf32>, vector<16xi1> -> vector<16xf32>
        %reduce_sum3A_57 = vector.extract %reduce_sum3A_56[15] : f32 from vector<16xf32>
        %div3A = vector.broadcast %reduce_sum3A_57 : f32 to vector<16xf32>
        %div3A_58 = arith.divf %exp3A, %div3A : vector<16xf32>
        %swap3A = arith.index_cast %scan3A_20 : i32 to index
        %swap3A_59 = arith.constant 0 : index
        %swap3A_60 = tpu.vector_load %arg8[%swap3A, %swap3A_59] {strides = array<i32>} : memref<128x16xf32, #tpu.memory_space<vmem>>, vector<16xf32>,
        tpu.vector_store %arg8[%swap3A, %swap3A_59], %div3A_58 {strides = array<i32>} : memref<128x16xf32, #tpu.memory_space<vmem>>, vector<16xf32>,
        %sub3A_61 = arith.subf %reduce_max3A_41, %reduce_max3A_25 : f32
        %broadcast_in_dim3A_62 = vector.broadcast %sub3A_61 : f32 to vector<16xf32>
        %exp3A_63 = math.exp %broadcast_in_dim3A_62 : vector<16xf32>
        %add3A_64 = arith.constant 1.000000e+00 : f32
        %add3A_65 = vector.broadcast %add3A_64 : f32 to vector<16xf32>
        %add3A_66 = arith.addf %add3A_65, %exp3A_63 : vector<16xf32>
        %div3A_67 = arith.constant 1.000000e+00 : f32
        %div3A_68 = vector.broadcast %div3A_67 : f32 to vector<16xf32>
        %div3A_69 = arith.divf %div3A_68, %add3A_66 : vector<16xf32>
        %mul3A_70 = arith.mulf %exp3A_63, %div3A_69 : vector<16xf32>
        %eq3A_71 = vector.broadcast %reduce_min3A_33 : i32 to vector<16xi32>
        %eq3A_72 = arith.cmpi eq, %iota3A, %eq3A_71 : vector<16xi32>
        %jit3A = arith.constant 0.000000e+00 : f32
        %broadcast_in_dim3A_73 = vector.broadcast %jit3A : f32 to vector<16xf32>
        %select_n3A_74 = arith.select %eq3A_72, %div3A_69, %broadcast_in_dim3A_73 : vector<16xi1>, vector<16xf32>
        %eq3A_75 = vector.broadcast %reduce_min3A_53 : i32 to vector<16xi32>
        %eq3A_76 = arith.cmpi eq, %iota3A, %eq3A_75 : vector<16xi32>
        %jit3A_77 = arith.constant 0.000000e+00 : f32
        %broadcast_in_dim3A_78 = vector.broadcast %jit3A_77 : f32 to vector<16xf32>
        %select_n3A_79 = arith.select %eq3A_76, %mul3A_70, %broadcast_in_dim3A_78 : vector<16xi1>, vector<16xf32>
        %add3A_80 = arith.addf %select_n3A_74, %select_n3A_79 : vector<16xf32>
        %swap3A_81 = arith.index_cast %scan3A_20 : i32 to index
        %swap3A_82 = arith.constant 0 : index
        %swap3A_83 = tpu.vector_load %arg7[%swap3A_81, %swap3A_82] {strides = array<i32>} : memref<128x16xf32, #tpu.memory_space<vmem>>, vector<16xf32>,
        tpu.vector_store %arg7[%swap3A_81, %swap3A_82], %add3A_80 {strides = array<i32>} : memref<128x16xf32, #tpu.memory_space<vmem>>, vector<16xf32>,
        %eq3A_84 = arith.constant 0 : i32
        %eq3A_85 = vector.broadcast %eq3A_84 : i32 to vector<16xi32>
        %eq3A_86 = arith.cmpi eq, %iota3A, %eq3A_85 : vector<16xi32>
        %broadcast_in_dim3A_87 = vector.broadcast %reduce_min3A_33 : i32 to vector<16xi32>
        %broadcast_in_dim3A_88 = vector.broadcast %reduce_min3A_53 : i32 to vector<16xi32>
        %select_n3A_89 = arith.select %eq3A_86, %broadcast_in_dim3A_87, %broadcast_in_dim3A_88 : vector<16xi1>, vector<16xi32>
        %broadcast_in_dim3A_90 = vector.broadcast %scan3A_20 : i32 to vector<16xi32>
        tpu.vector_store_idx %arg9[%broadcast_in_dim3A_90, %iota3A], %select_n3A_89 masked %lt3A_4 : memref<128x2xi32, #tpu.memory_space<vmem>>[vector<16xi32>, vector<16xi32>], vector<16xi32>, vector<16xi1>
      }
      %scan3A_19 = arith.constant 128 : i32
      "tpu.region"() ({
        %run_scoped3A = tpu.sem_alloc : memref<!tpu.dma_semaphore, #tpu.memory_space<semaphore_mem>>
        %dma_start3A = arith.constant 0 : i32
        %dma_start3A_20 = tpu.memref_slice %arg3[%add3A_14, %dma_start3A] : memref<16384x16xf32, #tpu.memory_space<hbm>> -> memref<128x16xf32, #tpu.memory_space<hbm>>
        %dma_start3A_21 = arith.constant 0 : i32
        %dma_start3A_22 = tpu.memref_slice %arg3[%add3A_14, %dma_start3A_21] : memref<16384x16xf32, #tpu.memory_space<hbm>> -> memref<128x16xf32, #tpu.memory_space<hbm>>
        tpu.enqueue_dma source(%arg7 : memref<128x16xf32, #tpu.memory_space<vmem>>) target(%dma_start3A_22 : memref<128x16xf32, #tpu.memory_space<hbm>>) target_semaphore(%run_scoped3A : memref<!tpu.dma_semaphore, #tpu.memory_space<semaphore_mem>>)
        %dma_wait3A = arith.constant 0 : i32
        %dma_wait3A_23 = tpu.memref_slice %arg3[%add3A_14, %dma_wait3A] : memref<16384x16xf32, #tpu.memory_space<hbm>> -> memref<128x16xf32, #tpu.memory_space<hbm>>
        %dma_wait3A_24 = arith.constant 0 : i32
        %dma_wait3A_25 = tpu.memref_slice %arg3[%add3A_14, %dma_wait3A_24] : memref<16384x16xf32, #tpu.memory_space<hbm>> -> memref<128x16xf32, #tpu.memory_space<hbm>>
        tpu.wait_dma2 semaphore(%run_scoped3A : memref<!tpu.dma_semaphore, #tpu.memory_space<semaphore_mem>>) src(%arg7 : memref<128x16xf32, #tpu.memory_space<vmem>>) dst(%dma_wait3A_25 : memref<128x16xf32, #tpu.memory_space<hbm>>)
        tpu.yield
      }) : () -> ()
      "tpu.region"() ({
        %run_scoped3A = tpu.sem_alloc : memref<!tpu.dma_semaphore, #tpu.memory_space<semaphore_mem>>
        %dma_start3A = arith.constant 0 : i32
        %dma_start3A_20 = tpu.memref_slice %arg5[%add3A_14, %dma_start3A] : memref<16384x16xf32, #tpu.memory_space<hbm>> -> memref<128x16xf32, #tpu.memory_space<hbm>>
        %dma_start3A_21 = arith.constant 0 : i32
        %dma_start3A_22 = tpu.memref_slice %arg5[%add3A_14, %dma_start3A_21] : memref<16384x16xf32, #tpu.memory_space<hbm>> -> memref<128x16xf32, #tpu.memory_space<hbm>>
        tpu.enqueue_dma source(%arg8 : memref<128x16xf32, #tpu.memory_space<vmem>>) target(%dma_start3A_22 : memref<128x16xf32, #tpu.memory_space<hbm>>) target_semaphore(%run_scoped3A : memref<!tpu.dma_semaphore, #tpu.memory_space<semaphore_mem>>)
        %dma_wait3A = arith.constant 0 : i32
        %dma_wait3A_23 = tpu.memref_slice %arg5[%add3A_14, %dma_wait3A] : memref<16384x16xf32, #tpu.memory_space<hbm>> -> memref<128x16xf32, #tpu.memory_space<hbm>>
        %dma_wait3A_24 = arith.constant 0 : i32
        %dma_wait3A_25 = tpu.memref_slice %arg5[%add3A_14, %dma_wait3A_24] : memref<16384x16xf32, #tpu.memory_space<hbm>> -> memref<128x16xf32, #tpu.memory_space<hbm>>
        tpu.wait_dma2 semaphore(%run_scoped3A : memref<!tpu.dma_semaphore, #tpu.memory_space<semaphore_mem>>) src(%arg8 : memref<128x16xf32, #tpu.memory_space<vmem>>) dst(%dma_wait3A_25 : memref<128x16xf32, #tpu.memory_space<hbm>>)
        tpu.yield
      }) : () -> ()
      "tpu.region"() ({
        %run_scoped3A = tpu.sem_alloc : memref<!tpu.dma_semaphore, #tpu.memory_space<semaphore_mem>>
        %dma_start3A = arith.constant 0 : i32
        %dma_start3A_20 = tpu.memref_slice %arg4[%add3A_14, %dma_start3A] : memref<16384x2xi32, #tpu.memory_space<hbm>> -> memref<128x2xi32, #tpu.memory_space<hbm>>
        %dma_start3A_21 = arith.constant 0 : i32
        %dma_start3A_22 = tpu.memref_slice %arg4[%add3A_14, %dma_start3A_21] : memref<16384x2xi32, #tpu.memory_space<hbm>> -> memref<128x2xi32, #tpu.memory_space<hbm>>
        tpu.enqueue_dma source(%arg9 : memref<128x2xi32, #tpu.memory_space<vmem>>) target(%dma_start3A_22 : memref<128x2xi32, #tpu.memory_space<hbm>>) target_semaphore(%run_scoped3A : memref<!tpu.dma_semaphore, #tpu.memory_space<semaphore_mem>>)
        %dma_wait3A = arith.constant 0 : i32
        %dma_wait3A_23 = tpu.memref_slice %arg4[%add3A_14, %dma_wait3A] : memref<16384x2xi32, #tpu.memory_space<hbm>> -> memref<128x2xi32, #tpu.memory_space<hbm>>
        %dma_wait3A_24 = arith.constant 0 : i32
        %dma_wait3A_25 = tpu.memref_slice %arg4[%add3A_14, %dma_wait3A_24] : memref<16384x2xi32, #tpu.memory_space<hbm>> -> memref<128x2xi32, #tpu.memory_space<hbm>>
        tpu.wait_dma2 semaphore(%run_scoped3A : memref<!tpu.dma_semaphore, #tpu.memory_space<semaphore_mem>>) src(%arg9 : memref<128x2xi32, #tpu.memory_space<vmem>>) dst(%dma_wait3A_25 : memref<128x2xi32, #tpu.memory_space<hbm>>)
        tpu.yield
      }) : () -> ()
    }
    %scan3A_10 = arith.constant 4 : i32
    return
  }
}

module attributes {stable_mosaic.version = 14 : i64} {
  func.func @_logits_kernel(%arg0: i32, %arg1: memref<256x2048xf32, #tpu.memory_space<vmem>>, %arg2: memref<256x2048xf32, #tpu.memory_space<vmem>>, %arg3: memref<256x2048xf32, #tpu.memory_space<vmem>>, %arg4: memref<256x2048xf32, #tpu.memory_space<vmem>>, %arg5: memref<256x2048xf32, #tpu.memory_space<vmem>>, %arg6: memref<256x2048xf32, #tpu.memory_space<vmem>>, %arg7: memref<256x2048xf32, #tpu.memory_space<vmem>>, %arg8: memref<256x2048xf32, #tpu.memory_space<vmem>>, %arg9: memref<16x2048xf32, #tpu.memory_space<vmem>>, %arg10: memref<1x16xf32, #tpu.memory_space<vmem>>, %arg11: memref<2048x16xf32, #tpu.memory_space<vmem>>) attributes {dimension_semantics = [#tpu.dimension_semantics<parallel>], iteration_bounds = array<i64: 8>, scalar_prefetch = 0 : i64, scratch_operands = 0 : i64, tpu.core_type = #tpu.core_type<tc>, window_params = [{transform_indices = @transform_0, window_bounds = array<i64: 256, 2048>}, {transform_indices = @transform_1, window_bounds = array<i64: 256, 2048>}, {transform_indices = @transform_2, window_bounds = array<i64: 256, 2048>}, {transform_indices = @transform_3, window_bounds = array<i64: 256, 2048>}, {transform_indices = @transform_4, window_bounds = array<i64: 256, 2048>}, {transform_indices = @transform_5, window_bounds = array<i64: 256, 2048>}, {transform_indices = @transform_6, window_bounds = array<i64: 256, 2048>}, {transform_indices = @transform_7, window_bounds = array<i64: 256, 2048>}, {pipeline_mode = #tpu.pipeline_mode<synchronous>, transform_indices = @transform_8, window_bounds = array<i64: 16, 2048>}, {pipeline_mode = #tpu.pipeline_mode<synchronous>, transform_indices = @transform_9, window_bounds = array<i64: 1, 16>}, {transform_indices = @transform_10, window_bounds = array<i64: 2048, 16>}]} {
    %get3A = arith.constant 0 : index
    %get3A_0 = arith.constant 0 : index
    %get3A_1 = vector.load %arg9[%get3A, %get3A_0] : memref<16x2048xf32, #tpu.memory_space<vmem>>, vector<16x2048xf32>
    %get3A_2 = arith.constant 0 : index
    %get3A_3 = arith.constant 0 : index
    %get3A_4 = vector.load %arg10[%get3A_2, %get3A_3] : memref<1x16xf32, #tpu.memory_space<vmem>>, vector<1x16xf32>
    %get3A_5 = arith.constant 0 : index
    %get3A_6 = arith.constant 0 : index
    %get3A_7 = vector.load %arg1[%get3A_5, %get3A_6] : memref<256x2048xf32, #tpu.memory_space<vmem>>, vector<256x2048xf32>
    %dot_general3A = arith.constant dense<0.000000e+00> : vector<256x16xf32>
    %dot_general3A_8 = tpu.matmul %get3A_7, %get3A_1, %dot_general3A {dimension_numbers = #tpu.dot_dimension_numbers<[1], [1], [0], [0], [0, 0, 1, 0], [], []>, transpose_lhs_hint = false} : vector<256x2048xf32>, vector<16x2048xf32>, vector<256x16xf32> -> vector<256x16xf32>
    %add3A = vector.broadcast %get3A_4 : vector<1x16xf32> to vector<256x16xf32>
    %add3A_9 = arith.addf %dot_general3A_8, %add3A : vector<256x16xf32>
    %swap3A = arith.constant 0 : index
    %swap3A_10 = arith.constant 0 : index
    %swap3A_11 = vector.load %arg11[%swap3A, %swap3A_10] : memref<2048x16xf32, #tpu.memory_space<vmem>>, vector<256x16xf32>
    tpu.vector_store %arg11[%swap3A, %swap3A_10], %add3A_9 {strides = array<i32>} : memref<2048x16xf32, #tpu.memory_space<vmem>>, vector<256x16xf32>,
    %get3A_12 = arith.constant 0 : index
    %get3A_13 = arith.constant 0 : index
    %get3A_14 = vector.load %arg2[%get3A_12, %get3A_13] : memref<256x2048xf32, #tpu.memory_space<vmem>>, vector<256x2048xf32>
    %dot_general3A_15 = arith.constant dense<0.000000e+00> : vector<256x16xf32>
    %dot_general3A_16 = tpu.matmul %get3A_14, %get3A_1, %dot_general3A_15 {dimension_numbers = #tpu.dot_dimension_numbers<[1], [1], [0], [0], [0, 0, 1, 0], [], []>, transpose_lhs_hint = false} : vector<256x2048xf32>, vector<16x2048xf32>, vector<256x16xf32> -> vector<256x16xf32>
    %add3A_17 = vector.broadcast %get3A_4 : vector<1x16xf32> to vector<256x16xf32>
    %add3A_18 = arith.addf %dot_general3A_16, %add3A_17 : vector<256x16xf32>
    %swap3A_19 = arith.constant 256 : index
    %swap3A_20 = arith.constant 0 : index
    %swap3A_21 = vector.load %arg11[%swap3A_19, %swap3A_20] : memref<2048x16xf32, #tpu.memory_space<vmem>>, vector<256x16xf32>
    tpu.vector_store %arg11[%swap3A_19, %swap3A_20], %add3A_18 {strides = array<i32>} : memref<2048x16xf32, #tpu.memory_space<vmem>>, vector<256x16xf32>,
    %get3A_22 = arith.constant 0 : index
    %get3A_23 = arith.constant 0 : index
    %get3A_24 = vector.load %arg3[%get3A_22, %get3A_23] : memref<256x2048xf32, #tpu.memory_space<vmem>>, vector<256x2048xf32>
    %dot_general3A_25 = arith.constant dense<0.000000e+00> : vector<256x16xf32>
    %dot_general3A_26 = tpu.matmul %get3A_24, %get3A_1, %dot_general3A_25 {dimension_numbers = #tpu.dot_dimension_numbers<[1], [1], [0], [0], [0, 0, 1, 0], [], []>, transpose_lhs_hint = false} : vector<256x2048xf32>, vector<16x2048xf32>, vector<256x16xf32> -> vector<256x16xf32>
    %add3A_27 = vector.broadcast %get3A_4 : vector<1x16xf32> to vector<256x16xf32>
    %add3A_28 = arith.addf %dot_general3A_26, %add3A_27 : vector<256x16xf32>
    %swap3A_29 = arith.constant 512 : index
    %swap3A_30 = arith.constant 0 : index
    %swap3A_31 = vector.load %arg11[%swap3A_29, %swap3A_30] : memref<2048x16xf32, #tpu.memory_space<vmem>>, vector<256x16xf32>
    tpu.vector_store %arg11[%swap3A_29, %swap3A_30], %add3A_28 {strides = array<i32>} : memref<2048x16xf32, #tpu.memory_space<vmem>>, vector<256x16xf32>,
    %get3A_32 = arith.constant 0 : index
    %get3A_33 = arith.constant 0 : index
    %get3A_34 = vector.load %arg4[%get3A_32, %get3A_33] : memref<256x2048xf32, #tpu.memory_space<vmem>>, vector<256x2048xf32>
    %dot_general3A_35 = arith.constant dense<0.000000e+00> : vector<256x16xf32>
    %dot_general3A_36 = tpu.matmul %get3A_34, %get3A_1, %dot_general3A_35 {dimension_numbers = #tpu.dot_dimension_numbers<[1], [1], [0], [0], [0, 0, 1, 0], [], []>, transpose_lhs_hint = false} : vector<256x2048xf32>, vector<16x2048xf32>, vector<256x16xf32> -> vector<256x16xf32>
    %add3A_37 = vector.broadcast %get3A_4 : vector<1x16xf32> to vector<256x16xf32>
    %add3A_38 = arith.addf %dot_general3A_36, %add3A_37 : vector<256x16xf32>
    %swap3A_39 = arith.constant 768 : index
    %swap3A_40 = arith.constant 0 : index
    %swap3A_41 = vector.load %arg11[%swap3A_39, %swap3A_40] : memref<2048x16xf32, #tpu.memory_space<vmem>>, vector<256x16xf32>
    tpu.vector_store %arg11[%swap3A_39, %swap3A_40], %add3A_38 {strides = array<i32>} : memref<2048x16xf32, #tpu.memory_space<vmem>>, vector<256x16xf32>,
    %get3A_42 = arith.constant 0 : index
    %get3A_43 = arith.constant 0 : index
    %get3A_44 = vector.load %arg5[%get3A_42, %get3A_43] : memref<256x2048xf32, #tpu.memory_space<vmem>>, vector<256x2048xf32>
    %dot_general3A_45 = arith.constant dense<0.000000e+00> : vector<256x16xf32>
    %dot_general3A_46 = tpu.matmul %get3A_44, %get3A_1, %dot_general3A_45 {dimension_numbers = #tpu.dot_dimension_numbers<[1], [1], [0], [0], [0, 0, 1, 0], [], []>, transpose_lhs_hint = false} : vector<256x2048xf32>, vector<16x2048xf32>, vector<256x16xf32> -> vector<256x16xf32>
    %add3A_47 = vector.broadcast %get3A_4 : vector<1x16xf32> to vector<256x16xf32>
    %add3A_48 = arith.addf %dot_general3A_46, %add3A_47 : vector<256x16xf32>
    %swap3A_49 = arith.constant 1024 : index
    %swap3A_50 = arith.constant 0 : index
    %swap3A_51 = vector.load %arg11[%swap3A_49, %swap3A_50] : memref<2048x16xf32, #tpu.memory_space<vmem>>, vector<256x16xf32>
    tpu.vector_store %arg11[%swap3A_49, %swap3A_50], %add3A_48 {strides = array<i32>} : memref<2048x16xf32, #tpu.memory_space<vmem>>, vector<256x16xf32>,
    %get3A_52 = arith.constant 0 : index
    %get3A_53 = arith.constant 0 : index
    %get3A_54 = vector.load %arg6[%get3A_52, %get3A_53] : memref<256x2048xf32, #tpu.memory_space<vmem>>, vector<256x2048xf32>
    %dot_general3A_55 = arith.constant dense<0.000000e+00> : vector<256x16xf32>
    %dot_general3A_56 = tpu.matmul %get3A_54, %get3A_1, %dot_general3A_55 {dimension_numbers = #tpu.dot_dimension_numbers<[1], [1], [0], [0], [0, 0, 1, 0], [], []>, transpose_lhs_hint = false} : vector<256x2048xf32>, vector<16x2048xf32>, vector<256x16xf32> -> vector<256x16xf32>
    %add3A_57 = vector.broadcast %get3A_4 : vector<1x16xf32> to vector<256x16xf32>
    %add3A_58 = arith.addf %dot_general3A_56, %add3A_57 : vector<256x16xf32>
    %swap3A_59 = arith.constant 1280 : index
    %swap3A_60 = arith.constant 0 : index
    %swap3A_61 = vector.load %arg11[%swap3A_59, %swap3A_60] : memref<2048x16xf32, #tpu.memory_space<vmem>>, vector<256x16xf32>
    tpu.vector_store %arg11[%swap3A_59, %swap3A_60], %add3A_58 {strides = array<i32>} : memref<2048x16xf32, #tpu.memory_space<vmem>>, vector<256x16xf32>,
    %get3A_62 = arith.constant 0 : index
    %get3A_63 = arith.constant 0 : index
    %get3A_64 = vector.load %arg7[%get3A_62, %get3A_63] : memref<256x2048xf32, #tpu.memory_space<vmem>>, vector<256x2048xf32>
    %dot_general3A_65 = arith.constant dense<0.000000e+00> : vector<256x16xf32>
    %dot_general3A_66 = tpu.matmul %get3A_64, %get3A_1, %dot_general3A_65 {dimension_numbers = #tpu.dot_dimension_numbers<[1], [1], [0], [0], [0, 0, 1, 0], [], []>, transpose_lhs_hint = false} : vector<256x2048xf32>, vector<16x2048xf32>, vector<256x16xf32> -> vector<256x16xf32>
    %add3A_67 = vector.broadcast %get3A_4 : vector<1x16xf32> to vector<256x16xf32>
    %add3A_68 = arith.addf %dot_general3A_66, %add3A_67 : vector<256x16xf32>
    %swap3A_69 = arith.constant 1536 : index
    %swap3A_70 = arith.constant 0 : index
    %swap3A_71 = vector.load %arg11[%swap3A_69, %swap3A_70] : memref<2048x16xf32, #tpu.memory_space<vmem>>, vector<256x16xf32>
    tpu.vector_store %arg11[%swap3A_69, %swap3A_70], %add3A_68 {strides = array<i32>} : memref<2048x16xf32, #tpu.memory_space<vmem>>, vector<256x16xf32>,
    %get3A_72 = arith.constant 0 : index
    %get3A_73 = arith.constant 0 : index
    %get3A_74 = vector.load %arg8[%get3A_72, %get3A_73] : memref<256x2048xf32, #tpu.memory_space<vmem>>, vector<256x2048xf32>
    %dot_general3A_75 = arith.constant dense<0.000000e+00> : vector<256x16xf32>
    %dot_general3A_76 = tpu.matmul %get3A_74, %get3A_1, %dot_general3A_75 {dimension_numbers = #tpu.dot_dimension_numbers<[1], [1], [0], [0], [0, 0, 1, 0], [], []>, transpose_lhs_hint = false} : vector<256x2048xf32>, vector<16x2048xf32>, vector<256x16xf32> -> vector<256x16xf32>
    %add3A_77 = vector.broadcast %get3A_4 : vector<1x16xf32> to vector<256x16xf32>
    %add3A_78 = arith.addf %dot_general3A_76, %add3A_77 : vector<256x16xf32>
    %swap3A_79 = arith.constant 1792 : index
    %swap3A_80 = arith.constant 0 : index
    %swap3A_81 = vector.load %arg11[%swap3A_79, %swap3A_80] : memref<2048x16xf32, #tpu.memory_space<vmem>>, vector<256x16xf32>
    tpu.vector_store %arg11[%swap3A_79, %swap3A_80], %add3A_78 {strides = array<i32>} : memref<2048x16xf32, #tpu.memory_space<vmem>>, vector<256x16xf32>,
    return
  }
  func.func @transform_0(%arg0: i32) -> (i32, i32) {
    %mul3A = arith.constant 8 : i32
    %mul3A_0 = arith.muli %arg0, %mul3A : i32
    %add3A = arith.constant 0 : i32
    %add3A_1 = arith.addi %mul3A_0, %add3A : i32
    %c0_i32 = arith.constant 0 : i32
    %c0_i32_2 = arith.constant 0 : i32
    return %add3A_1, %c0_i32 : i32, i32
  }
  func.func @transform_1(%arg0: i32) -> (i32, i32) {
    %mul3A = arith.constant 8 : i32
    %mul3A_0 = arith.muli %arg0, %mul3A : i32
    %add3A = arith.constant 1 : i32
    %add3A_1 = arith.addi %mul3A_0, %add3A : i32
    %c0_i32 = arith.constant 0 : i32
    %c0_i32_2 = arith.constant 0 : i32
    return %add3A_1, %c0_i32 : i32, i32
  }
  func.func @transform_2(%arg0: i32) -> (i32, i32) {
    %mul3A = arith.constant 8 : i32
    %mul3A_0 = arith.muli %arg0, %mul3A : i32
    %add3A = arith.constant 2 : i32
    %add3A_1 = arith.addi %mul3A_0, %add3A : i32
    %c0_i32 = arith.constant 0 : i32
    %c0_i32_2 = arith.constant 0 : i32
    return %add3A_1, %c0_i32 : i32, i32
  }
  func.func @transform_3(%arg0: i32) -> (i32, i32) {
    %mul3A = arith.constant 8 : i32
    %mul3A_0 = arith.muli %arg0, %mul3A : i32
    %add3A = arith.constant 3 : i32
    %add3A_1 = arith.addi %mul3A_0, %add3A : i32
    %c0_i32 = arith.constant 0 : i32
    %c0_i32_2 = arith.constant 0 : i32
    return %add3A_1, %c0_i32 : i32, i32
  }
  func.func @transform_4(%arg0: i32) -> (i32, i32) {
    %mul3A = arith.constant 8 : i32
    %mul3A_0 = arith.muli %arg0, %mul3A : i32
    %add3A = arith.constant 4 : i32
    %add3A_1 = arith.addi %mul3A_0, %add3A : i32
    %c0_i32 = arith.constant 0 : i32
    %c0_i32_2 = arith.constant 0 : i32
    return %add3A_1, %c0_i32 : i32, i32
  }
  func.func @transform_5(%arg0: i32) -> (i32, i32) {
    %mul3A = arith.constant 8 : i32
    %mul3A_0 = arith.muli %arg0, %mul3A : i32
    %add3A = arith.constant 5 : i32
    %add3A_1 = arith.addi %mul3A_0, %add3A : i32
    %c0_i32 = arith.constant 0 : i32
    %c0_i32_2 = arith.constant 0 : i32
    return %add3A_1, %c0_i32 : i32, i32
  }
  func.func @transform_6(%arg0: i32) -> (i32, i32) {
    %mul3A = arith.constant 8 : i32
    %mul3A_0 = arith.muli %arg0, %mul3A : i32
    %add3A = arith.constant 6 : i32
    %add3A_1 = arith.addi %mul3A_0, %add3A : i32
    %c0_i32 = arith.constant 0 : i32
    %c0_i32_2 = arith.constant 0 : i32
    return %add3A_1, %c0_i32 : i32, i32
  }
  func.func @transform_7(%arg0: i32) -> (i32, i32) {
    %mul3A = arith.constant 8 : i32
    %mul3A_0 = arith.muli %arg0, %mul3A : i32
    %add3A = arith.constant 7 : i32
    %add3A_1 = arith.addi %mul3A_0, %add3A : i32
    %c0_i32 = arith.constant 0 : i32
    %c0_i32_2 = arith.constant 0 : i32
    return %add3A_1, %c0_i32 : i32, i32
  }
  func.func @transform_8(%arg0: i32) -> (i32, i32) {
    %c0_i32 = arith.constant 0 : i32
    %c0_i32_0 = arith.constant 0 : i32
    %c0_i32_1 = arith.constant 0 : i32
    return %c0_i32, %c0_i32_0 : i32, i32
  }
  func.func @transform_9(%arg0: i32) -> (i32, i32) {
    %c0_i32 = arith.constant 0 : i32
    %c0_i32_0 = arith.constant 0 : i32
    %c0_i32_1 = arith.constant 0 : i32
    return %c0_i32, %c0_i32_0 : i32, i32
  }
  func.func @transform_10(%arg0: i32) -> (i32, i32) {
    %c0_i32 = arith.constant 0 : i32
    %c0_i32_0 = arith.constant 0 : i32
    return %arg0, %c0_i32 : i32, i32
  }
}

</mosaic_0001>

<sc_bundles>
// kernel: kernel.4.cloned.1.call-start
scs
__scs_entry_jumppad:
0x0: {  	(pc) =	sbr.rel $0x88, $3  }
0x1: {  	(tag) =	ssettag $0x0;
	lr =	simm.s32 $0x1  }
0x2: {  	[smem:$0x3F9E] =	sst lr;
	_ =	strace $0xD0000000  }
0x3: {  	_ = 	snop  }
0x4: {  	_ = 	snop  }
0x5: {  	_ = 	snop  }
0x6: {  	_ = 	snop  }
0x7: {  	_ = 	snop  }
__scs_overlays_trampoline_lowered:
0x8: {  	[smem:$0x3FAD] =	sst s0  }
0x9: {  	[smem:$0x3FAE] =	sst s1  }
0xa: {  	[smem:$0x3FAF] =	sst s2  }
0xb: {  	[smem:$0x3FB0] =	sst s3  }
0xc: {  	[smem:$0x3FB1] =	sst s4  }
0xd: {  	[smem:$0x3FB2] =	sst s5  }
0xe: {  	[smem:$0x3FB3] =	sst s6  }
0xf: {  	[smem:$0x3FB4] =	sst s7  }
0x10: {  	[smem:$0x3FB5] =	sst s8  }
0x11: {  	[smem:$0x3FB6] =	sst s9;
	s0 =	simm.s32 @!p0 $0x0  }
0x12: {  	s1 =	sld [smem:$0x3F9C];
	s0 =	simm.s32 @p0 $0x1  }
0x13: {  	[smem:$0x3FB7] =	sst s0;
	s0 =	simm.s32 @!p1 $0x0  }
0x14: {  	s2 =	sld [smem:$0x3F9B];
	s0 =	simm.s32 @p1 $0x1  }
0x15: {  	[smem:$0x3FB8] =	sst s0;
	s0 =	simm.s32 @!p2 $0x0  }
0x16: {  	s3 =	sld [smem:$0x3FDB];
	s0 =	simm.s32 @p2 $0x1  }
0x17: {  	s4 =	simm.s32 $0x1BF5;
	[smem:$0x3FBA] =	sst s0  }
0x18: {  	s0 =	sld [smem:$0x3F9D];
	_ =	swait.ge [sflag:s4], $0x0  }
0x19: {  	s7 =	sld [smem:$0x3F9E]  }
0x1a: {  	s8 =	sadd.s32 $0xFFFFE003, lr  }
0x1b: {  	s9 =	sadd.s32 $0xFFFFFEF7, lr;
	s5 =	simm.s32 $0xFFFFFFFF;
	p2 =	slt.u32 s8, $0xFFFFF086  }
0x1c: {  	p1 =	slt.u32 s9, $0xF7A;
	s5 =	simm.s32 @!p2 $0x0  }
0x1d: {  	s5 =	simm.s32 @p1 $0x1;
	p0 =	seq.s32 s7, s2  }
0x1e: {  	s7 =	smul.u32 @!p0 $0xF7A, s2;
	p2 =	seq.s32 @!p0 s5, $0x0  }
0x1f: {  	s9 =	smul.u32 $0xF7A, s1;
	s8 =	simm.s32 @!p0 $0x1BF5;
	p2 =	por !p2, p0  }
0x20: {  	[sflag:s8] =	ssyncset.s32 @!p0 $0xFFFFF086;
	s6 =	sadd.s32 @!p0 s3, s7;
	s7 =	simm.s32 @!p0 $0x108  }
0x21: {  	s3 =	sadd.s32 s3, s9;
	s6 =	sadd.s32 @!p0 $0x88, s6;
	s7 =	simm.s32 @p2 $0x1082  }
0x22: {  	[simem:s7], [sflag:s8] =	dma.local @!p0 [hbm:s6], $0xF7A  }
0x23: {  	s9 =	sor.u32 $0xD0000000, s2;
	s6 =	simm.s32 $0x108;
	_ =	swait.ge @!p0 [sflag:s8], $0x0  }
0x24: {  	s3 =	sadd.s32 $0x88, s3;
	s6 =	simm.s32 @!p1 $0x1082;
	[sflag:s4] =	ssyncset.s32 $0xFFFFF086  }
0x25: {  	[simem:s6], [sflag:s4] =	dma.local [hbm:s3], $0xF7A  }
0x26: {  	[smem:$0x3F9E] =	sst s1;
	(tag) =	ssettag s2;
	_ =	strace s9  }
0x27: {  	s1 =	sld [smem:$0x3FAE]  }
0x28: {  	s2 =	sld [smem:$0x3FAF]  }
0x29: {  	s4 =	sld [smem:$0x3FB1]  }
0x2a: {  	p0 =	seq.s32 s5, $0x0;
	s5 =	sld [smem:$0x3FB2]  }
0x2b: {  	s6 =	sld [smem:$0x3FB3]  }
0x2c: {  	s7 =	sld [smem:$0x3FB4]  }
0x2d: {  	s3 =	simm.s32 $0x108;
	s8 =	sld [smem:$0x3FB5]  }
0x2e: {  	s3 =	simm.s32 @!p0 $0x1082;
	s9 =	sld [smem:$0x3FB6]  }
0x2f: {  	lr =	sadd.s32 s0, s3;
	s0 =	sld [smem:$0x3FAD]  }
0x30: {  	s3 =	sld [smem:$0x3FB0]  }
0x31: {  	[smem:$0x3FB9] =	sst s10  }
0x32: {  	s10 =	sld [smem:$0x3FB7];
	_ =	sdelay $0x3  }
0x33: {  	p0 =	seq.s32 s10, $0x1;
	s10 =	sld [smem:$0x3FB9];
	_ =	sdelay $0x3  }
0x34: {  	[smem:$0x3FB9] =	sst s10  }
0x35: {  	s10 =	sld [smem:$0x3FB8];
	_ =	sdelay $0x3  }
0x36: {  	p1 =	seq.s32 s10, $0x1;
	s10 =	sld [smem:$0x3FB9];
	_ =	sdelay $0x3  }
0x37: {  	[smem:$0x3FB9] =	sst s10  }
0x38: {  	s10 =	sld [smem:$0x3FBA]  }
0x39: {  	_ = 	snop;
	(pc) =	sbr.ind lr, $3  }
0x3a: {  	_ = 	snop  }
0x3b: {  	_ = 	snop  }
0x3c: {  	p2 =	seq.s32 s10, $0x1;
	s10 =	sld [smem:$0x3FB9]  }
0x3d: {  	_ =	shalt  }
0x3e: {  	_ =	shalt  }
0x3f: {  	_ =	shalt  }
0x40: {  	_ =	shalt  }
0x41: {  	_ =	shalt  }
0x42: {  	_ =	shalt  }
0x43: {  	_ =	shalt  }
0x44: {  	_ =	shalt  }
0x45: {  	_ =	shalt  }
0x46: {  	_ =	shalt  }
0x47: {  	_ =	shalt  }
0x48: {  	_ =	shalt  }
0x49: {  	_ =	shalt  }
0x4a: {  	_ =	shalt  }
0x4b: {  	_ =	shalt  }
0x4c: {  	_ =	shalt  }
0x4d: {  	_ =	shalt  }
0x4e: {  	_ =	shalt  }
0x4f: {  	_ =	shalt  }
0x50: {  	_ =	shalt  }
0x51: {  	_ =	shalt  }
0x52: {  	_ =	shalt  }
0x53: {  	_ =	shalt  }
0x54: {  	_ =	shalt  }
0x55: {  	_ =	shalt  }
0x56: {  	_ =	shalt  }
0x57: {  	_ =	shalt  }
0x58: {  	_ =	shalt  }
0x59: {  	_ =	shalt  }
0x5a: {  	_ =	shalt  }
0x5b: {  	_ =	shalt  }
0x5c: {  	_ =	shalt  }
0x5d: {  	_ =	shalt  }
0x5e: {  	_ =	shalt  }
0x5f: {  	_ =	shalt  }
0x60: {  	_ =	shalt  }
0x61: {  	_ =	shalt  }
0x62: {  	_ =	shalt  }
0x63: {  	_ =	shalt  }
0x64: {  	_ =	shalt  }
0x65: {  	_ =	shalt  }
0x66: {  	_ =	shalt  }
0x67: {  	_ =	shalt  }
0x68: {  	_ =	shalt  }
0x69: {  	_ =	shalt  }
0x6a: {  	_ =	shalt  }
0x6b: {  	_ =	shalt  }
0x6c: {  	_ =	shalt  }
0x6d: {  	_ =	shalt  }
0x6e: {  	_ =	shalt  }
0x6f: {  	_ =	shalt  }
0x70: {  	_ =	shalt  }
0x71: {  	_ =	shalt  }
0x72: {  	_ =	shalt  }
0x73: {  	_ =	shalt  }
0x74: {  	_ =	shalt  }
0x75: {  	_ =	shalt  }
0x76: {  	_ =	shalt  }
0x77: {  	_ =	shalt  }
0x78: {  	_ =	shalt  }
0x79: {  	_ =	shalt  }
0x7a: {  	_ =	shalt  }
0x7b: {  	_ =	shalt  }
0x7c: {  	_ =	shalt  }
0x7d: {  	_ =	shalt  }
0x7e: {  	_ =	shalt  }
0x7f: {  	_ =	shalt  }
0x80: {  	_ =	shalt  }
0x81: {  	_ =	shalt  }
0x82: {  	_ =	shalt  }
0x83: {  	_ =	shalt  }
0x84: {  	_ =	shalt  }
0x85: {  	_ =	shalt  }
0x86: {  	_ =	shalt  }
0x87: {  	_ =	shalt  }
.Lfunc_end0:
.L_simem_size_0:
called_computation_lowered:
.L_overlay_start_0:
0x88: {  	s2 =	sld [smem:$0x3FD9]  }
0x89: {  	s3 =	sld [smem:$0x3FFE];
	_ =	sdelay $0x1  }
0x8a: {  	s1 =	srdreg.scid  }
0x8b: {  	s0 =	sand.u32 $0x1, s1  }
0x8c: {  	s16 =	sshll.u32 s0, $0xA;
	s2 =	sadd.s32 s3, s2  }
0x8d: {  	s2 =	sadd.s32 s2, s16  }
0x8e: {  	[smem:$0x3FC5] =	sst s2  }
0x8f: {  	_ = 	snop  }
0x90: {  	(tm) =	ssettm $0x1  }
0x91: {  	s17 =	sld [smem:$0x3FFB];
	_ =	sdelay $0x3  }
0x92: {  	_ =	strace s17  }
0x93: {  	s2 =	sld [smem:$0x3FFC];
	_ =	sdelay $0x3  }
0x94: {  	_ =	strace s2  }
0x95: {  	s2 =	sld [smem:$0x3FFD];
	_ =	sdelay $0x3  }
0x96: {  	_ =	strace s2  }
0x97: {  	_ =	strace $0x8FFFFFFF  }
0x98: {  	s18 =	sld [smem:$0x3FDB];
	_ =	sdelay $0x1  }
0x99: {  	s19 =	simm.s32 $_scs_section_size  }
0x9a: {  	s4 =	simm.s32 $_size__tile_overlayer_lowered;
	s5 =	simm.s32 $_tile_overlayer_lowered  }
0x9b: {  	s22 =	simm.s32 $0x1BFF;
	s21 =	sshll.u32 s5, $0x1;
	s2 =	sadd.s32 s19, s18  }
0x9c: {  	s6 =	simm.s32 $0x0;
	s20 =	sshll.u32 s4, $0x1;
	s4 =	sadd.s32 s21, s2  }
0x9d: {  	[timem:s6], [sflag:s22] =	dma.local [hbm:s4], s20  }
0x9e: {  	_ =	swait.ge [sflag:s22], s20  }
0x9f: {  	s3 =	ssub.s32 $0x0, s20;
	[sflag:s22] =	ssyncset.done $0x0  }
0xa0: {  	[sflag:s22] =	ssyncadd.s32 s3;
	_ =	sdelay $0x1  }
0xa1: {  	s23 =	simm.s32 $0x1B8B  }
0xa2: {  	_ =	swait.ge [sflag:s23], $0x1  }
0xa3: {  	[sflag:s23] =	ssyncset.done $0x0  }
0xa4: {  	s25 =	simm.s32 $0x1B8E;
	s24 =	sld [smem:$0x3FFE];
	[sflag:s23] =	ssyncadd.s32 $0xFFFFFFFF  }
0xa5: {  	s26 =	simm.s32 $execute0_lowered;
	[smem:$0x3FD2] =	sst s25  }
0xa6: {  	s4 =	sshll.u32 s26, $0x1;
	_ =	strace $0x80000046;
	[dreg:$0x1] =	wrdreg $0xFFFFFFFF  }
0xa7: {  	s28 =	simm.s32 $_size_execute0_lowered;
	s2 =	sadd.s32 s2, s4;
	[dreg:$0x0] =	wrdreg $0x0  }
0xa8: {  	s4 =	sshll.u32 s28, $0x1;
	[dreg:$0x2] =	wrdreg s2  }
0xa9: {  	[dreg:$0x3] =	wrdreg s4  }
0xaa: {  	[dreg:$0x4] =	wrdreg $0xC0  }
0xab: {  	_ =	task [dreg:s6], $0x5FFFF  }
0xac: {  	[dreg:$0x1] =	wrdreg $0xFFFFFFFF  }
0xad: {  	[dreg:$0x0] =	wrdreg $0x60  }
0xae: {  	[dreg:$0x2] =	wrdreg s24  }
0xaf: {  	[dreg:$0x3] =	wrdreg $0x9  }
0xb0: {  	_ =	task.clear_ibuf [dreg:s6], $0x4FFFF;
	_ =	strace $0x90000046  }
0xb1: {  	s29 =	simm.s32 $0x9;
	_ =	strace $0x80000048  }
0xb2: {  	_ =	swait.ge [sflag:s29], $0x1  }
0xb3: {  	[sflag:s29] =	ssyncadd.s32 $0xFFFFFFFF  }
0xb4: {  	_ =	strace $0x90000048  }
0xb5: {  	_ =	sfence  }
0xb6: {  	s30 =	sld [smem:$0x0];
	_ =	sdelay $0x2  }
0xb7: {  	s31 =	sshll.u32 s1, $0xD;
	s1 =	sshrl.u32 s1, $0x2  }
0xb8: {  	s3 =	sand.u32 $0x4000, s31;
	s1 =	sadd.s32 s1, s30  }
0xb9: {  	s0 =	sor.u32 s3, s0;
	s1 =	sshll.u32 s1, $0x11  }
0xba: {  	s0 =	sor.u32 s1, s0  }
0xbb: {  	s0 =	sadd.s32 $0x8F2B, s0  }
0xbc: {  	[sflag:s0] =	ssyncadd.remote.s32 $0x1  }
0xbd: {  	_ =	sfence.sel $0xFFFF  }
0xbe: {  	[dreg:$0x0] =	wrdreg $0xFFFFFFFF;
	(pc) =	sbr.abs _section_cstart, $3  }
0xbf: {  	[dreg:$0x1] =	wrdreg $0xFFFFFFFF  }
0xc0: {  	_ =	task.clear_ibuf [dreg:s6], $0x2FFFF;
	_ =	strace $0x9FFFFFFF  }
0xc1: {  	(tm) =	ssettm $0x7FFFFFFF  }
tec
execute0_lowered:
.L_overlay_start_1:
0x0: {  	(tag) =	ssettag $0x1  }
0x1: {  	s6 =	rddreg [dreg:$0x0]  }
0x2: {  	s0 =	rddreg [dreg:$0x1];
	s1 =	simm.s32 $0x0  }
0x3: {  	s2 =	srdreg.scid;
	s11 =	simm.s32 $0x4000;
	s12 =	simm.s32 $0x8000  }
0x4: {  	s13 =	simm.s32 $0x0;
	[smem:$0x7FF] =	sst s1;
	s3 =	sadd.s32 $0x1600, s6  }
0x5: {  	s4 =	sadd.s32 $0x41600, s6;
	s7 =	sand.u32 $0x1, s2;
	s5 =	sadd.s32 $0x81600, s6  }
0x6: {  	s2 =	stileid.u32;
	s6 =	sadd.s32 $0xC1600, s6;
	s8 =	ssub.s32 $0x2, s7  }
0x7: {  	s10 =	sshll.u32 s2, $0xE;
	s7 =	sshll.u32 s7, $0xD;
	s9 =	sshrl.u32 s8, $0x1  }
0x8: {  	v0 =	vlaneseq.u32;
	_ =	strace $0x80000047;
	s7 =	sor.u32 s7, s10;
	s8 =	ssub.s32 s8, s9  }
0x9: {  	vm0 =	vmmov $0x1;
	v1 =	vor.u32 $0x80000000, v0;
	s10 =	simm.s32 $0xC000;
	s9 =	simm.s32 $0x1;
	s8 =	smax.u32 s8, $0x1  }
.LBB2_1:
0xa: {  	s14 =	simm.s32 $0x0  }
.LBB2_2:
0xb: {  	s15 =	sshll.u32 s14, $0xB  }
0xc: {  	s15 =	sadd.s32 s7, s15  }
0xd: {  	s17 =	simm.s32 $0x0;
	s16 =	sadd.s32 s3, s15  }
0xe: {  	[tilespmem:s17], [sflag:$0x1] =	stream.linear.gather [hbm4b:s16+s17], $0x4000, $0x38;
	[tilespmem:$0x10000] =	vst v63  }
0xf: {  	_ =	swait.ge [sflag:s9], $0x4000  }
0x10: {  	[sflag:s9] =	ssyncset.done $0x0  }
0x11: {  	[sflag:s9] =	ssyncadd.s32 $0xFFFFC000  }
0x12: {  	v2 =	vld [tilespmem:s17+$0x0];
	_ =	sdelay $0x4  }
0x13: {  	(xrf0) =	vmax.scan.msk.f32 $0xffff, v2;
	_ =	sdelay $0x5  }
0x14: {  	v3, _, _ =	vpop (xrf0)  }
0x15: {  	v4 =	vbroadcast v3, $0xF;
	_ =	sdelay $0x1  }
0x16: {  	vm1 =	veq.f32 v2, v4  }
0x17: {  	v5 =	vnsel vm1, $0x80000010, v1  }
0x18: {  	(xrf0) =	vmin.scan.msk.u32 $0xffff, v5;
	_ =	sdelay $0x5  }
0x19: {  	v5, _, _ =	vpop (xrf0)  }
0x1a: {  	(v2sf) =	vpush v5, $0xF;
	_ =	sdelay $0xe  }
0x1b: {  	s26 =	spop (v2sf)  }
0x1c: {  	s18 =	sxor.u32 $0x80000000, s26  }
0x1d: {  	v60 =	vmov s18  }
0x1e: {  	vm1 =	veq.s32 v60, v0  }
0x1f: {  	v5 =	vsel vm1, $0xFF800000, v2  }
0x20: {  	(xrf0) =	vmax.scan.msk.f32 $0xffff, v5;
	_ =	sdelay $0x5  }
0x21: {  	(v2sf) =	vpush v3, $0xF;
	v3, _, _ =	vpop (xrf0)  }
0x22: {  	(v2sf) =	vpush v3, $0xF;
	_ =	sdelay $0x9  }
0x23: {  	v2 =	vsub.f32 v2, v4;
	_ =	sdelay $0x1  }
0x24: {  	v2 =	vmul.f32 $1.442695020e+00, v2;
	_ =	sdelay $0x1  }
0x25: {  	(erf) = vpow2.f32 v2;
	s28 =	spop (v2sf)  }
0x26: {  	s29 =	spop (v2sf)  }
0x27: {  	s16 =	ssub.f32 s29, s28  }
0x28: {  	v2 =	vbroadcast v3, $0xF  }
0x29: {  	v3 =	vmov s16  }
0x2a: {  	vm2 =	veq.f32 v5, v2;
	v2 =	vmul.f32 $1.442695020e+00, v3  }
0x2b: {  	v3 =	vnsel vm2, $0x80000010, v1  }
0x2c: {  	(xrf0) =	vmin.scan.msk.u32 $0xffff, v3;
	v2 =	vbroadcast v2, $0x0;
	_ =	sdelay $0x1  }
0x2d: {  	v3 =	vpop (erf);
	(erf) = vpow2.f32 v2  }
0x2e: {  	(xrf2) =	vadd.scan.msk.f32 $0xffff, v3;
	_ =	sdelay $0x2  }
0x2f: {  	v2, _, _ =	vpop (xrf0)  }
0x30: {  	(v2sf) =	vpush v2, $0xF;
	_ =	sdelay $0x3  }
0x31: {  	v2 =	vpop (erf)  }
0x32: {  	v61 =	vadd.f32 $1.000000000e+00, v2  }
0x33: {  	v62, _, _ =	vpop (xrf2)  }
0x34: {  	v5 =	vbroadcast v62, $0xF;
	(erf) = vrcp.f32 v61;
	_ =	sdelay $0x1  }
0x35: {  	(erf) = vrcp.f32 v5;
	_ =	sdelay $0x5  }
0x36: {  	s30 =	spop (v2sf)  }
0x37: {  	s16 =	sxor.u32 $0x80000000, s30;
	v4 =	vpop (erf)  }
0x38: {  	s31 =	simm.s32 $0x0;
	v63 =	vmov s16;
	v2 =	vmul.f32 v4, v2  }
0x39: {  	v6 =	vor.u32 s31, v0;
	vm2 =	veq.s32 v63, v0;
	v7 =	vpop (erf)  }
0x3a: {  	v4 =	vnsel vm1, $0x0, v4;
	v3 =	vmul.f32 v7, v3;
	v2 =	vnsel vm2, $0x0, v2  }
0x3b: {  	s16 =	simm.s32 $0x8000;
	v2 =	vadd.f32 v2, v4  }
0x3c: {  	s17 =	simm.s32 $0x4000;
	[tilespmem:s16+$0x0] =	vst v3  }
0x3d: {  	[tilespmem:s17+$0x0] =	vst v2;
	v2 =	vsel vm0, s18, v63  }
0x3e: {  	s19 =	simm.s32 $0x80;
	[tilespmem:v6+s10+$0x0] =	vst.idx.msk $0x3, v2  }
0x3f: {  	v2 =	vld [tilespmem:s19+$0x0]  }
0x40: {  	s20 =	simm.s32 $0x2;
	s18 =	simm.s32 $0x1  }
.LBB2_3:
0x41: {  	p0 =	sne.s32 s20, $0x7F;
	_ =	sdelay $0x2  }
0x42: {  	(xrf0) =	vmax.scan.msk.f32 $0xffff, v2;
	_ =	sdelay $0x5  }
0x43: {  	v3, _, _ =	vpop (xrf0)  }
0x44: {  	v4 =	vbroadcast v3, $0xF;
	_ =	sdelay $0x1  }
0x45: {  	vm1 =	veq.f32 v2, v4  }
0x46: {  	v5 =	vnsel vm1, $0x80000010, v1  }
0x47: {  	(xrf0) =	vmin.scan.msk.u32 $0xffff, v5;
	_ =	sdelay $0x5  }
0x48: {  	v5, _, _ =	vpop (xrf0)  }
0x49: {  	(v2sf) =	vpush v5, $0xF;
	_ =	sdelay $0xe  }
0x4a: {  	s21 =	spop (v2sf)  }
0x4b: {  	s21 =	sxor.u32 $0x80000000, s21  }
0x4c: {  	v5 =	vmov s21  }
0x4d: {  	vm1 =	veq.s32 v5, v0  }
0x4e: {  	v5 =	vsel vm1, $0xFF800000, v2  }
0x4f: {  	(xrf0) =	vmax.scan.msk.f32 $0xffff, v5;
	_ =	sdelay $0x5  }
0x50: {  	(v2sf) =	vpush v3, $0xF;
	v3, _, _ =	vpop (xrf0)  }
0x51: {  	(v2sf) =	vpush v3, $0xF;
	_ =	sdelay $0x9  }
0x52: {  	v2 =	vsub.f32 v2, v4;
	_ =	sdelay $0x1  }
0x53: {  	v2 =	vmul.f32 $1.442695020e+00, v2;
	_ =	sdelay $0x1  }
0x54: {  	s22 =	spop (v2sf);
	(erf) = vpow2.f32 v2  }
0x55: {  	s23 =	spop (v2sf)  }
0x56: {  	s22 =	ssub.f32 s23, s22  }
0x57: {  	v2 =	vbroadcast v3, $0xF  }
0x58: {  	v3 =	vmov s22  }
0x59: {  	vm2 =	veq.f32 v5, v2;
	v2 =	vmul.f32 $1.442695020e+00, v3  }
0x5a: {  	v3 =	vnsel vm2, $0x80000010, v1  }
0x5b: {  	v2 =	vbroadcast v2, $0x0;
	(xrf0) =	vmin.scan.msk.u32 $0xffff, v3;
	_ =	sdelay $0x1  }
0x5c: {  	v3 =	vpop (erf);
	(erf) = vpow2.f32 v2  }
0x5d: {  	(xrf2) =	vadd.scan.msk.f32 $0xffff, v3;
	_ =	sdelay $0x2  }
0x5e: {  	v2, _, _ =	vpop (xrf0)  }
0x5f: {  	(v2sf) =	vpush v2, $0xF;
	_ =	sdelay $0x3  }
0x60: {  	v2 =	vpop (erf)  }
0x61: {  	v4 =	vadd.f32 $1.000000000e+00, v2  }
0x62: {  	v5, _, _ =	vpop (xrf2)  }
0x63: {  	v5 =	vbroadcast v5, $0xF;
	(erf) = vrcp.f32 v4;
	_ =	sdelay $0x1  }
0x64: {  	(erf) = vrcp.f32 v5;
	_ =	sdelay $0x5  }
0x65: {  	s22 =	spop (v2sf)  }
0x66: {  	s22 =	sxor.u32 $0x80000000, s22;
	v4 =	vpop (erf)  }
0x67: {  	v2 =	vmul.f32 v4, v2;
	v5 =	vmov s22;
	s22 =	sshll.u32 s18, $0x7;
	s18 =	smov.u32 s20  }
0x68: {  	vm2 =	veq.s32 v5, v0;
	v6 =	vor.u32 s22, v0;
	v7 =	vpop (erf)  }
0x69: {  	v4 =	vnsel vm1, $0x0, v4;
	v3 =	vmul.f32 v7, v3;
	v2 =	vnsel vm2, $0x0, v2  }
0x6a: {  	s16 =	sadd.s32 $0x80, s16;
	v2 =	vadd.f32 v2, v4  }
.Ltmp0:
0x6b: {  	s17 =	sadd.s32 $0x80, s17;
	[tilespmem:s16+$0x0] =	vst v3;
	(pc) =	sbr.rel @p0 .LBB2_3-.Ltmp0, $4  }
0x6c: {  	[tilespmem:s17+$0x0] =	vst v2;
	v2 =	vsel vm0, s21, v5  }
0x6d: {  	s19 =	sadd.s32 $0x80, s19;
	[tilespmem:v6+s10+$0x0] =	vst.idx.msk $0x3, v2  }
0x6e: {  	v2 =	vld [tilespmem:s19+$0x0]  }
0x6f: {  	s20 =	sadd.s32 $0x1, s20  }
0x70: {  	_ =	sdelay $0x2  }
0x71: {  	(xrf0) =	vmax.scan.msk.f32 $0xffff, v2;
	_ =	sdelay $0x5  }
0x72: {  	v3, _, _ =	vpop (xrf0)  }
0x73: {  	v4 =	vbroadcast v3, $0xF;
	_ =	sdelay $0x1  }
0x74: {  	vm1 =	veq.f32 v2, v4  }
0x75: {  	v5 =	vnsel vm1, $0x80000010, v1  }
0x76: {  	(xrf0) =	vmin.scan.msk.u32 $0xffff, v5;
	_ =	sdelay $0x5  }
0x77: {  	v5, _, _ =	vpop (xrf0)  }
0x78: {  	(v2sf) =	vpush v5, $0xF;
	_ =	sdelay $0xe  }
0x79: {  	s19 =	spop (v2sf)  }
0x7a: {  	s19 =	sxor.u32 $0x80000000, s19  }
0x7b: {  	v60 =	vmov s19  }
0x7c: {  	vm1 =	veq.s32 v60, v0  }
0x7d: {  	v5 =	vsel vm1, $0xFF800000, v2  }
0x7e: {  	(xrf0) =	vmax.scan.msk.f32 $0xffff, v5;
	_ =	sdelay $0x5  }
0x7f: {  	(v2sf) =	vpush v3, $0xF;
	v3, _, _ =	vpop (xrf0)  }
0x80: {  	(v2sf) =	vpush v3, $0xF;
	_ =	sdelay $0x9  }
0x81: {  	v2 =	vsub.f32 v2, v4;
	_ =	sdelay $0x1  }
0x82: {  	v2 =	vmul.f32 $1.442695020e+00, v2;
	_ =	sdelay $0x1  }
0x83: {  	(erf) = vpow2.f32 v2;
	s20 =	spop (v2sf)  }
0x84: {  	s21 =	spop (v2sf)  }
0x85: {  	s20 =	ssub.f32 s21, s20  }
0x86: {  	v2 =	vbroadcast v3, $0xF  }
0x87: {  	v3 =	vmov s20  }
0x88: {  	vm2 =	veq.f32 v5, v2;
	v2 =	vmul.f32 $1.442695020e+00, v3  }
0x89: {  	v3 =	vnsel vm2, $0x80000010, v1  }
0x8a: {  	(xrf0) =	vmin.scan.msk.u32 $0xffff, v3;
	v2 =	vbroadcast v2, $0x0;
	_ =	sdelay $0x1  }
0x8b: {  	v3 =	vpop (erf);
	(erf) = vpow2.f32 v2  }
0x8c: {  	(xrf2) =	vadd.scan.msk.f32 $0xffff, v3;
	_ =	sdelay $0x2  }
0x8d: {  	v2, _, _ =	vpop (xrf0)  }
0x8e: {  	(v2sf) =	vpush v2, $0xF;
	_ =	sdelay $0x3  }
0x8f: {  	v2 =	vpop (erf)  }
0x90: {  	v61 =	vadd.f32 $1.000000000e+00, v2  }
0x91: {  	v62, _, _ =	vpop (xrf2)  }
0x92: {  	v5 =	vbroadcast v62, $0xF;
	(erf) = vrcp.f32 v61;
	_ =	sdelay $0x1  }
0x93: {  	(erf) = vrcp.f32 v5;
	_ =	sdelay $0x5  }
0x94: {  	s26 =	spop (v2sf)  }
0x95: {  	s20 =	sxor.u32 $0x80000000, s26;
	v4 =	vpop (erf)  }
0x96: {  	s18 =	sshll.u32 s18, $0x7;
	v63 =	vmov s20;
	v2 =	vmul.f32 v4, v2  }
0x97: {  	v6 =	vor.u32 s18, v0;
	vm2 =	veq.s32 v63, v0;
	v7 =	vpop (erf)  }
0x98: {  	v4 =	vnsel vm1, $0x0, v4;
	v3 =	vmul.f32 v7, v3;
	v2 =	vnsel vm2, $0x0, v2  }
0x99: {  	s16 =	sadd.s32 $0x80, s16;
	v2 =	vadd.f32 v2, v4  }
0x9a: {  	s28 =	sadd.s32 $0x80, s17;
	[tilespmem:s16+$0x0] =	vst v3  }
0x9b: {  	[tilespmem:s28+$0x0] =	vst v2;
	v2 =	vsel vm0, s19, v63  }
0x9c: {  	s29 =	sadd.s32 s4, s15;
	[tilespmem:v6+s10+$0x0] =	vst.idx.msk $0x3, v2  }
0x9d: {  	[hbm4b:s29+s1] =	stream.linear.scatter [tilespmem:s11], [sflag:$0x1], $0x4000, $0x38;
	[tilespmem:$0x10000] =	vst v63  }
0x9e: {  	_ =	swait.ge [sflag:s9], $0x4000  }
0x9f: {  	[sflag:s9] =	ssyncset.done $0x0  }
0xa0: {  	s30 =	sadd.s32 s6, s15;
	[sflag:s9] =	ssyncadd.s32 $0xFFFFC000  }
0xa1: {  	[hbm4b:s30+s1] =	stream.linear.scatter [tilespmem:s12], [sflag:$0x1], $0x4000, $0x38;
	[tilespmem:$0x10000] =	vst v63  }
0xa2: {  	s14 =	sadd.s32 $0x1, s14;
	_ =	swait.ge [sflag:s9], $0x4000  }
0xa3: {  	p0 =	sne.s32 s14, $0x4;
	[sflag:s9] =	ssyncset.done $0x0  }
.Ltmp1:
0xa4: {  	s31 =	sadd.s32 s5, s15;
	[sflag:s9] =	ssyncadd.s32 $0xFFFFC000;
	(pc) =	sbr.rel @p0 .LBB2_2-.Ltmp1, $4  }
0xa5: {  	[hbm4b:s31+s1] =	stream.linear.scatter [tilespmem:s10], [sflag:$0x1], $0x4000, $0x38;
	[tilespmem:$0x10000] =	vst v63  }
0xa6: {  	_ =	swait.ge [sflag:s9], $0x4000  }
0xa7: {  	[sflag:s9] =	ssyncset.done $0x0  }
0xa8: {  	[sflag:s9] =	ssyncadd.s32 $0xFFFFC000  }
0xa9: {  	s13 =	sadd.s32 $0x1, s13  }
0xaa: {  	p0 =	sne.s32 s13, s8  }
.Ltmp2:
0xab: {  	_ = 	snop;
	(pc) =	sbr.rel @p0 .LBB2_1-.Ltmp2, $1  }
0xac: {  	_ =	sdelay $0x3  }
0xad: {  	_ =	sfence.sel $0x180000  }
0xae: {  	[bflag:$0x0] =	sbarrier.arrive $0xFFFF  }
0xaf: {  	p0 =	sne.s32 s2, $0x0;
	_ =	strace $0x90000047  }
0xb0: {  	s0 =	sadd.s32 @!p0 $0x100000, s0;
	[bflag:$0x2] =	sbarrier.arrive $0xFFFF  }
0xb1: {  	[sflag:s0] =	ssyncadd.tile.s32 @!p0 $0x1;
	_ =	shalt  }
.Lfunc_end2:
_tile_overlayer_lowered:
.L_overlay_start_2:
0xb2: {  	(tag) =	ssettag $0x2  }
0xb3: {  	s0 =	rddreg [dreg:$0x0];
	s2 =	stileid.u32  }
0xb4: {  	s1 =	rddreg [dreg:$0x1];
	p0 =	sne.s32 s2, $0x0  }
0xb5: {  	s3 =	rddreg [dreg:$0x2];
	[bflag:$0x3] =	sbarrier.arrive $0xFFFF;
	s2 =	simm.s32 @!p0 $0x1C01  }
0xb6: {  	[timem:s3], [sflag:s2] =	dma.local @!p0 [hbm:s0], s1  }
0xb7: {  	s0 =	simm.s32 @!p0 $0x1  }
0xb8: {  	_ =	swait.ge @!p0 [sflag:s0], s1  }
0xb9: {  	s1 =	ssub.s32 @!p0 $0x0, s1;
	[sflag:s0] =	ssyncset.done @!p0 $0x0  }
0xba: {  	[sflag:s0] =	ssyncadd.s32 @!p0 s1  }
0xbb: {  	[bflag:$0x3] =	sbarrier.arrive $0xFFFF  }
0xbc: {  	_ =	shalt  }

</sc_bundles>
